<compile_context>
chip_gen: v7x
topology: tpu7x:2x2x1
jax: 0.10.2.dev20260603
libtpu: 0.0.44.dev20260713+nightly
codegen_flags: <defaults>
</compile_context>

<pallas_src>
import functools

import jax
import jax.numpy as jnp
from jax import lax
from jax.experimental import pallas as pl
from jax.experimental.pallas import tpu as pltpu
from jax.experimental.pallas import tpu_sc as plsc

_N = 1048576
_NW = 32
_CHUNK = _N // _NW
_SUB = 8192
_NSUB = _CHUNK // _SUB

_mesh = plsc.VectorSubcoreMesh(core_axis_name="c", subcore_axis_name="s")


@functools.partial(
    pl.kernel,
    mesh=_mesh,
    out_type=[
        jax.ShapeDtypeStruct((_N,), jnp.float32),
        jax.ShapeDtypeStruct((3, _N), jnp.float32),
    ],
    scratch_types=[
        pltpu.VMEM((3, _SUB), jnp.float32),
        pltpu.VMEM((1, _SUB), jnp.float32),
        pltpu.VMEM((1, _SUB), jnp.float32),
    ],
)
def _sc_balls(pos_hbm, den_hbm, rad_hbm, pos_v, mask_v, zero_v):
    wid = lax.axis_index("s") * 2 + lax.axis_index("c")
    base = wid * _CHUNK

    def zinit(i, carry):
        zero_v[0, pl.ds(i * 16, 16)] = jnp.zeros((16,), jnp.float32)
        return carry

    lax.fori_loop(0, _SUB // 16, zinit, 0)

    def body(j, carry):
        off = base + j * _SUB
        pltpu.sync_copy(pos_hbm.at[:, pl.ds(off, _SUB)], pos_v)

        def inner(i, c):
            s = pl.ds(i * 16, 16)
            x = pos_v[0, s]
            y = pos_v[1, s]
            z = pos_v[2, s]
            zz = z * z
            dx1 = x - 0.5
            dx2 = x + 0.5
            dy2 = y + 0.2
            q1 = (dx1 * dx1 + y * y) + zz
            q2 = (dx2 * dx2 + dy2 * dy2) + zz
            inside = (q1 < 0.3) | (q2 < 0.8)
            mask_v[0, s] = jnp.where(inside, jnp.float32(1.0), jnp.float32(0.0))
            return c

        lax.fori_loop(0, _SUB // 16, inner, 0)
        pltpu.sync_copy(mask_v.at[0], den_hbm.at[pl.ds(off, _SUB)])
        pltpu.sync_copy(mask_v, rad_hbm.at[pl.ds(0, 1), pl.ds(off, _SUB)])
        pltpu.sync_copy(zero_v, rad_hbm.at[pl.ds(1, 1), pl.ds(off, _SUB)])
        pltpu.sync_copy(zero_v, rad_hbm.at[pl.ds(2, 1), pl.ds(off, _SUB)])
        return carry

    lax.fori_loop(0, _NSUB, body, 0)


@jax.jit
def _run(position):
    n = position.shape[0]
    pos_t = position.T
    den, rad = _sc_balls(pos_t)
    return den, rad.T


def kernel(position, direction):
    del direction
    return _run(position)

# --- scband reference (transcript-rebuilt; emitter-appended) ---
"""Pipeline reference for scband-debug-ne-rf-32933809225934 (READ-ONLY COPY).

The authoritative reference and input builder live on the scoring server;
editing this copy changes nothing except your own understanding.
"""

import jax, jax.numpy as jnp
import numpy as np


def setup_inputs(seed: int = 0) -> dict:
    key = jax.random.key(seed)
    k1, k2 = jax.random.split(key)
    N = 1048576
    position = jax.random.normal(k1, (N, 3), dtype=jnp.float32)
    direction = jax.random.normal(k2, (N, 3), dtype=jnp.float32)
    return {"position": position, "direction": direction}


def reference(position, direction):
    # mode == 'balls'
    batch_size = position.shape[0]
    x = position[:, 0]
    y = position[:, 1]
    z = position[:, 2]
    inside_ball_1 = (jnp.square(x - 0.5) + jnp.square(y) + jnp.square(z)) < 0.3
    inside_ball_2 = (jnp.square(x + 0.5) + jnp.square(y + 0.2) + jnp.square(z)) < 0.8
    inside_balls = inside_ball_1 | inside_ball_2
    # masked scatter-overwrite into zero-initialized buffers
    volume_density = jnp.zeros((batch_size,), dtype=jnp.float32)
    volume_density = jnp.where(inside_balls, jnp.float32(1.0), volume_density)
    radiance = jnp.zeros((batch_size, 3), dtype=jnp.float32)
    red = jnp.array([1.0, 0.0, 0.0], dtype=jnp.float32)
    radiance = jnp.where(inside_balls[:, None], red[None, :], radiance)
    return (volume_density, radiance)

if __name__ == "__main__":
    import jax
    _d = setup_inputs()
    print(jax.jit(kernel)(*tuple(_d.values())))

</pallas_src>

<mosaic_0001>
#map = affine_map<(d0, d1) -> (0, 0)>
#map1 = affine_map<(d0, d1) -> (0)>
module attributes {stable_mosaic.version = 14 : i64} {
  func.func @_sc_balls(%arg0: i32, %arg1: i32, %arg2: memref<3x1048576xf32, #tpu.memory_space<hbm>>, %arg3: memref<1048576xf32, #tpu.memory_space<hbm>>, %arg4: memref<3x1048576xf32, #tpu.memory_space<hbm>>, %arg5: memref<3x8192xf32, #tpu.memory_space<vmem>>, %arg6: memref<1x8192xf32, #tpu.memory_space<vmem>>, %arg7: memref<1x8192xf32, #tpu.memory_space<vmem>>) attributes {dimension_semantics = [#tpu.dimension_semantics<core_parallel>, #tpu.dimension_semantics<subcore_parallel>], iteration_bounds = array<i64: 2, 16>, scalar_prefetch = 0 : i64, scratch_operands = 3 : i64, tpu.core_type = #tpu.core_type<sc_vector_subcore>, window_params = [{transform_indices = #map}, {transform_indices = #map1}, {transform_indices = #map}]} {
    %mul3A = arith.constant 2 : i32
    %mul3A_0 = arith.muli %arg1, %mul3A : i32
    %add3A = arith.addi %mul3A_0, %arg0 : i32
    %mul3A_1 = arith.constant 32768 : i32
    %mul3A_2 = arith.muli %add3A, %mul3A_1 : i32
    %scan3A = arith.constant 0 : i32
    %scan3A_3 = arith.constant 0 : i32
    %scan3A_4 = arith.constant 512 : i32
    %scan3A_5 = arith.addi %scan3A_3, %scan3A_4 : i32
    %scan3A_6 = arith.constant 1 : i32
    scf.for %scan3A_14 = %scan3A_3 to %scan3A_5 step %scan3A_6  : i32 {
      %broadcast_in_dim3A = arith.constant 0.000000e+00 : f32
      %broadcast_in_dim3A_15 = vector.broadcast %broadcast_in_dim3A : f32 to vector<16xf32>
      %mul3A_16 = arith.constant 16 : i32
      %mul3A_17 = arith.muli %scan3A_14, %mul3A_16 : i32
      %swap3A = arith.constant 0 : i32
      %swap3A_18 = arith.index_cast %swap3A : i32 to index
      %swap3A_19 = arith.index_cast %mul3A_17 : i32 to index
      %swap3A_20 = tpu.vector_load %arg7[%swap3A_18, %swap3A_19] {strides = array<i32>} : memref<1x8192xf32, #tpu.memory_space<vmem>>, vector<1x16xf32>,
      %swap3A_21 = vector.shape_cast %swap3A_20 : vector<1x16xf32> to vector<16xf32>
      %swap3A_22 = vector.shape_cast %broadcast_in_dim3A_15 : vector<16xf32> to vector<1x16xf32>
      tpu.vector_store %arg7[%swap3A_18, %swap3A_19], %swap3A_22 {strides = array<i32>} : memref<1x8192xf32, #tpu.memory_space<vmem>>, vector<1x16xf32>,
    }
    %scan3A_7 = arith.constant 512 : i32
    %scan3A_8 = arith.constant 0 : i32
    %scan3A_9 = arith.constant 0 : i32
    %scan3A_10 = arith.constant 4 : i32
    %scan3A_11 = arith.addi %scan3A_9, %scan3A_10 : i32
    %scan3A_12 = arith.constant 1 : i32
    scf.for %scan3A_14 = %scan3A_9 to %scan3A_11 step %scan3A_12  : i32 {
      %mul3A_15 = arith.constant 8192 : i32
      %mul3A_16 = arith.muli %scan3A_14, %mul3A_15 : i32
      %add3A_17 = arith.addi %mul3A_2, %mul3A_16 : i32
      "tpu.region"() ({
        %run_scoped3A_24 = tpu.sem_alloc : memref<!tpu.dma_semaphore, #tpu.memory_space<semaphore_mem>>
        %dma_start3A = arith.constant 0 : i32
        %dma_start3A_25 = tpu.memref_slice %arg2[%dma_start3A, %add3A_17] : memref<3x1048576xf32, #tpu.memory_space<hbm>> -> memref<3x8192xf32, #tpu.memory_space<hbm>>
        %dma_start3A_26 = arith.constant 0 : i32
        %dma_start3A_27 = tpu.memref_slice %arg2[%dma_start3A_26, %add3A_17] : memref<3x1048576xf32, #tpu.memory_space<hbm>> -> memref<3x8192xf32, #tpu.memory_space<hbm>>
        tpu.enqueue_dma source(%dma_start3A_27 : memref<3x8192xf32, #tpu.memory_space<hbm>>) target(%arg5 : memref<3x8192xf32, #tpu.memory_space<vmem>>) target_semaphore(%run_scoped3A_24 : memref<!tpu.dma_semaphore, #tpu.memory_space<semaphore_mem>>)
        %dma_wait3A = arith.constant 0 : i32
        %dma_wait3A_28 = tpu.memref_slice %arg2[%dma_wait3A, %add3A_17] : memref<3x1048576xf32, #tpu.memory_space<hbm>> -> memref<3x8192xf32, #tpu.memory_space<hbm>>
        %dma_wait3A_29 = arith.constant 0 : i32
        %dma_wait3A_30 = tpu.memref_slice %arg2[%dma_wait3A_29, %add3A_17] : memref<3x1048576xf32, #tpu.memory_space<hbm>> -> memref<3x8192xf32, #tpu.memory_space<hbm>>
        tpu.wait_dma2 semaphore(%run_scoped3A_24 : memref<!tpu.dma_semaphore, #tpu.memory_space<semaphore_mem>>) src(%dma_wait3A_30 : memref<3x8192xf32, #tpu.memory_space<hbm>>) dst(%arg5 : memref<3x8192xf32, #tpu.memory_space<vmem>>)
        tpu.yield
      }) : () -> ()
      %scan3A_18 = arith.constant 0 : i32
      %scan3A_19 = arith.constant 0 : i32
      %scan3A_20 = arith.constant 512 : i32
      %scan3A_21 = arith.addi %scan3A_19, %scan3A_20 : i32
      %scan3A_22 = arith.constant 1 : i32
      scf.for %scan3A_24 = %scan3A_19 to %scan3A_21 step %scan3A_22  : i32 {
        %mul3A_25 = arith.constant 16 : i32
        %mul3A_26 = arith.muli %scan3A_24, %mul3A_25 : i32
        %get3A = arith.constant 0 : i32
        %get3A_27 = arith.index_cast %get3A : i32 to index
        %get3A_28 = arith.index_cast %mul3A_26 : i32 to index
        %get3A_29 = tpu.vector_load %arg5[%get3A_27, %get3A_28] {strides = array<i32>} : memref<3x8192xf32, #tpu.memory_space<vmem>>, vector<1x16xf32>,
        %get3A_30 = vector.shape_cast %get3A_29 : vector<1x16xf32> to vector<16xf32>
        %get3A_31 = arith.constant 1 : i32
        %get3A_32 = arith.index_cast %get3A_31 : i32 to index
        %get3A_33 = arith.index_cast %mul3A_26 : i32 to index
        %get3A_34 = tpu.vector_load %arg5[%get3A_32, %get3A_33] {strides = array<i32>} : memref<3x8192xf32, #tpu.memory_space<vmem>>, vector<1x16xf32>,
        %get3A_35 = vector.shape_cast %get3A_34 : vector<1x16xf32> to vector<16xf32>
        %get3A_36 = arith.constant 2 : i32
        %get3A_37 = arith.index_cast %get3A_36 : i32 to index
        %get3A_38 = arith.index_cast %mul3A_26 : i32 to index
        %get3A_39 = tpu.vector_load %arg5[%get3A_37, %get3A_38] {strides = array<i32>} : memref<3x8192xf32, #tpu.memory_space<vmem>>, vector<1x16xf32>,
        %get3A_40 = vector.shape_cast %get3A_39 : vector<1x16xf32> to vector<16xf32>
        %mul3A_41 = arith.mulf %get3A_40, %get3A_40 : vector<16xf32>
        %sub3A = arith.constant 5.000000e-01 : f32
        %sub3A_42 = vector.broadcast %sub3A : f32 to vector<16xf32>
        %sub3A_43 = arith.subf %get3A_30, %sub3A_42 : vector<16xf32>
        %add3A_44 = arith.constant 5.000000e-01 : f32
        %add3A_45 = vector.broadcast %add3A_44 : f32 to vector<16xf32>
        %add3A_46 = arith.addf %get3A_30, %add3A_45 : vector<16xf32>
        %add3A_47 = arith.constant 2.000000e-01 : f32
        %add3A_48 = vector.broadcast %add3A_47 : f32 to vector<16xf32>
        %add3A_49 = arith.addf %get3A_35, %add3A_48 : vector<16xf32>
        %mul3A_50 = arith.mulf %sub3A_43, %sub3A_43 : vector<16xf32>
        %mul3A_51 = arith.mulf %get3A_35, %get3A_35 : vector<16xf32>
        %add3A_52 = arith.addf %mul3A_50, %mul3A_51 : vector<16xf32>
        %add3A_53 = arith.addf %add3A_52, %mul3A_41 : vector<16xf32>
        %mul3A_54 = arith.mulf %add3A_46, %add3A_46 : vector<16xf32>
        %mul3A_55 = arith.mulf %add3A_49, %add3A_49 : vector<16xf32>
        %add3A_56 = arith.addf %mul3A_54, %mul3A_55 : vector<16xf32>
        %add3A_57 = arith.addf %add3A_56, %mul3A_41 : vector<16xf32>
        %lt3A = arith.constant 3.000000e-01 : f32
        %lt3A_58 = vector.broadcast %lt3A : f32 to vector<16xf32>
        %lt3A_59 = arith.cmpf olt, %add3A_53, %lt3A_58 : vector<16xf32>
        %lt3A_60 = arith.constant 8.000000e-01 : f32
        %lt3A_61 = vector.broadcast %lt3A_60 : f32 to vector<16xf32>
        %lt3A_62 = arith.cmpf olt, %add3A_57, %lt3A_61 : vector<16xf32>
        %or3A = arith.ori %lt3A_59, %lt3A_62 : vector<16xi1>
        %jit3A = arith.constant 1.000000e+00 : f32
        %jit3A_63 = arith.constant 0.000000e+00 : f32
        %broadcast_in_dim3A = vector.broadcast %jit3A : f32 to vector<16xf32>
        %broadcast_in_dim3A_64 = vector.broadcast %jit3A_63 : f32 to vector<16xf32>
        %select_n3A = arith.select %or3A, %broadcast_in_dim3A, %broadcast_in_dim3A_64 : vector<16xi1>, vector<16xf32>
        %swap3A = arith.constant 0 : i32
        %swap3A_65 = arith.index_cast %swap3A : i32 to index
        %swap3A_66 = arith.index_cast %mul3A_26 : i32 to index
        %swap3A_67 = tpu.vector_load %arg6[%swap3A_65, %swap3A_66] {strides = array<i32>} : memref<1x8192xf32, #tpu.memory_space<vmem>>, vector<1x16xf32>,
        %swap3A_68 = vector.shape_cast %swap3A_67 : vector<1x16xf32> to vector<16xf32>
        %swap3A_69 = vector.shape_cast %select_n3A : vector<16xf32> to vector<1x16xf32>
        tpu.vector_store %arg6[%swap3A_65, %swap3A_66], %swap3A_69 {strides = array<i32>} : memref<1x8192xf32, #tpu.memory_space<vmem>>, vector<1x16xf32>,
      }
      %scan3A_23 = arith.constant 512 : i32
      %run_scoped3A = arith.constant 0 : i32
      "tpu.region"() ({
        %run_scoped3A_24 = tpu.sem_alloc : memref<!tpu.dma_semaphore, #tpu.memory_space<semaphore_mem>>
        %dma_start3A = arith.constant 0 : i32
        %dma_start3A_25 = tpu.memref_slice %arg6[%run_scoped3A, %dma_start3A] : memref<1x8192xf32, #tpu.memory_space<vmem>> -> memref<1x8192xf32, #tpu.memory_space<vmem>>
        %dma_start3A_26 = tpu.memref_squeeze %dma_start3A_25 : memref<1x8192xf32, #tpu.memory_space<vmem>> -> memref<8192xf32, #tpu.memory_space<vmem>>
        %dma_start3A_27 = tpu.memref_slice %arg3[%add3A_17] : memref<1048576xf32, #tpu.memory_space<hbm>> -> memref<8192xf32, #tpu.memory_space<hbm>>
        %dma_start3A_28 = tpu.memref_slice %arg3[%add3A_17] : memref<1048576xf32, #tpu.memory_space<hbm>> -> memref<8192xf32, #tpu.memory_space<hbm>>
        %dma_start3A_29 = arith.constant 0 : i32
        %dma_start3A_30 = tpu.memref_slice %arg6[%run_scoped3A, %dma_start3A_29] : memref<1x8192xf32, #tpu.memory_space<vmem>> -> memref<1x8192xf32, #tpu.memory_space<vmem>>
        %dma_start3A_31 = tpu.memref_squeeze %dma_start3A_30 : memref<1x8192xf32, #tpu.memory_space<vmem>> -> memref<8192xf32, #tpu.memory_space<vmem>>
        tpu.enqueue_dma source(%dma_start3A_31 : memref<8192xf32, #tpu.memory_space<vmem>>) target(%dma_start3A_28 : memref<8192xf32, #tpu.memory_space<hbm>>) target_semaphore(%run_scoped3A_24 : memref<!tpu.dma_semaphore, #tpu.memory_space<semaphore_mem>>)
        %dma_wait3A = arith.constant 0 : i32
        %dma_wait3A_32 = tpu.memref_slice %arg6[%run_scoped3A, %dma_wait3A] : memref<1x8192xf32, #tpu.memory_space<vmem>> -> memref<1x8192xf32, #tpu.memory_space<vmem>>
        %dma_wait3A_33 = tpu.memref_squeeze %dma_wait3A_32 : memref<1x8192xf32, #tpu.memory_space<vmem>> -> memref<8192xf32, #tpu.memory_space<vmem>>
        %dma_wait3A_34 = tpu.memref_slice %arg3[%add3A_17] : memref<1048576xf32, #tpu.memory_space<hbm>> -> memref<8192xf32, #tpu.memory_space<hbm>>
        %dma_wait3A_35 = tpu.memref_slice %arg3[%add3A_17] : memref<1048576xf32, #tpu.memory_space<hbm>> -> memref<8192xf32, #tpu.memory_space<hbm>>
        %dma_wait3A_36 = arith.constant 0 : i32
        %dma_wait3A_37 = tpu.memref_slice %arg6[%run_scoped3A, %dma_wait3A_36] : memref<1x8192xf32, #tpu.memory_space<vmem>> -> memref<1x8192xf32, #tpu.memory_space<vmem>>
        %dma_wait3A_38 = tpu.memref_squeeze %dma_wait3A_37 : memref<1x8192xf32, #tpu.memory_space<vmem>> -> memref<8192xf32, #tpu.memory_space<vmem>>
        tpu.wait_dma2 semaphore(%run_scoped3A_24 : memref<!tpu.dma_semaphore, #tpu.memory_space<semaphore_mem>>) src(%dma_wait3A_38 : memref<8192xf32, #tpu.memory_space<vmem>>) dst(%dma_wait3A_35 : memref<8192xf32, #tpu.memory_space<hbm>>)
        tpu.yield
      }) : () -> ()
      "tpu.region"() ({
        %run_scoped3A_24 = tpu.sem_alloc : memref<!tpu.dma_semaphore, #tpu.memory_space<semaphore_mem>>
        %dma_start3A = arith.constant 0 : i32
        %dma_start3A_25 = tpu.memref_slice %arg4[%dma_start3A, %add3A_17] : memref<3x1048576xf32, #tpu.memory_space<hbm>> -> memref<1x8192xf32, #tpu.memory_space<hbm>>
        %dma_start3A_26 = arith.constant 0 : i32
        %dma_start3A_27 = tpu.memref_slice %arg4[%dma_start3A_26, %add3A_17] : memref<3x1048576xf32, #tpu.memory_space<hbm>> -> memref<1x8192xf32, #tpu.memory_space<hbm>>
        tpu.enqueue_dma source(%arg6 : memref<1x8192xf32, #tpu.memory_space<vmem>>) target(%dma_start3A_27 : memref<1x8192xf32, #tpu.memory_space<hbm>>) target_semaphore(%run_scoped3A_24 : memref<!tpu.dma_semaphore, #tpu.memory_space<semaphore_mem>>)
        %dma_wait3A = arith.constant 0 : i32
        %dma_wait3A_28 = tpu.memref_slice %arg4[%dma_wait3A, %add3A_17] : memref<3x1048576xf32, #tpu.memory_space<hbm>> -> memref<1x8192xf32, #tpu.memory_space<hbm>>
        %dma_wait3A_29 = arith.constant 0 : i32
        %dma_wait3A_30 = tpu.memref_slice %arg4[%dma_wait3A_29, %add3A_17] : memref<3x1048576xf32, #tpu.memory_space<hbm>> -> memref<1x8192xf32, #tpu.memory_space<hbm>>
        tpu.wait_dma2 semaphore(%run_scoped3A_24 : memref<!tpu.dma_semaphore, #tpu.memory_space<semaphore_mem>>) src(%arg6 : memref<1x8192xf32, #tpu.memory_space<vmem>>) dst(%dma_wait3A_30 : memref<1x8192xf32, #tpu.memory_space<hbm>>)
        tpu.yield
      }) : () -> ()
      "tpu.region"() ({
        %run_scoped3A_24 = tpu.sem_alloc : memref<!tpu.dma_semaphore, #tpu.memory_space<semaphore_mem>>
        %dma_start3A = arith.constant 1 : i32
        %dma_start3A_25 = tpu.memref_slice %arg4[%dma_start3A, %add3A_17] : memref<3x1048576xf32, #tpu.memory_space<hbm>> -> memref<1x8192xf32, #tpu.memory_space<hbm>>
        %dma_start3A_26 = arith.constant 1 : i32
        %dma_start3A_27 = tpu.memref_slice %arg4[%dma_start3A_26, %add3A_17] : memref<3x1048576xf32, #tpu.memory_space<hbm>> -> memref<1x8192xf32, #tpu.memory_space<hbm>>
        tpu.enqueue_dma source(%arg7 : memref<1x8192xf32, #tpu.memory_space<vmem>>) target(%dma_start3A_27 : memref<1x8192xf32, #tpu.memory_space<hbm>>) target_semaphore(%run_scoped3A_24 : memref<!tpu.dma_semaphore, #tpu.memory_space<semaphore_mem>>)
        %dma_wait3A = arith.constant 1 : i32
        %dma_wait3A_28 = tpu.memref_slice %arg4[%dma_wait3A, %add3A_17] : memref<3x1048576xf32, #tpu.memory_space<hbm>> -> memref<1x8192xf32, #tpu.memory_space<hbm>>
        %dma_wait3A_29 = arith.constant 1 : i32
        %dma_wait3A_30 = tpu.memref_slice %arg4[%dma_wait3A_29, %add3A_17] : memref<3x1048576xf32, #tpu.memory_space<hbm>> -> memref<1x8192xf32, #tpu.memory_space<hbm>>
        tpu.wait_dma2 semaphore(%run_scoped3A_24 : memref<!tpu.dma_semaphore, #tpu.memory_space<semaphore_mem>>) src(%arg7 : memref<1x8192xf32, #tpu.memory_space<vmem>>) dst(%dma_wait3A_30 : memref<1x8192xf32, #tpu.memory_space<hbm>>)
        tpu.yield
      }) : () -> ()
      "tpu.region"() ({
        %run_scoped3A_24 = tpu.sem_alloc : memref<!tpu.dma_semaphore, #tpu.memory_space<semaphore_mem>>
        %dma_start3A = arith.constant 2 : i32
        %dma_start3A_25 = tpu.memref_slice %arg4[%dma_start3A, %add3A_17] : memref<3x1048576xf32, #tpu.memory_space<hbm>> -> memref<1x8192xf32, #tpu.memory_space<hbm>>
        %dma_start3A_26 = arith.constant 2 : i32
        %dma_start3A_27 = tpu.memref_slice %arg4[%dma_start3A_26, %add3A_17] : memref<3x1048576xf32, #tpu.memory_space<hbm>> -> memref<1x8192xf32, #tpu.memory_space<hbm>>
        tpu.enqueue_dma source(%arg7 : memref<1x8192xf32, #tpu.memory_space<vmem>>) target(%dma_start3A_27 : memref<1x8192xf32, #tpu.memory_space<hbm>>) target_semaphore(%run_scoped3A_24 : memref<!tpu.dma_semaphore, #tpu.memory_space<semaphore_mem>>)
        %dma_wait3A = arith.constant 2 : i32
        %dma_wait3A_28 = tpu.memref_slice %arg4[%dma_wait3A, %add3A_17] : memref<3x1048576xf32, #tpu.memory_space<hbm>> -> memref<1x8192xf32, #tpu.memory_space<hbm>>
        %dma_wait3A_29 = arith.constant 2 : i32
        %dma_wait3A_30 = tpu.memref_slice %arg4[%dma_wait3A_29, %add3A_17] : memref<3x1048576xf32, #tpu.memory_space<hbm>> -> memref<1x8192xf32, #tpu.memory_space<hbm>>
        tpu.wait_dma2 semaphore(%run_scoped3A_24 : memref<!tpu.dma_semaphore, #tpu.memory_space<semaphore_mem>>) src(%arg7 : memref<1x8192xf32, #tpu.memory_space<vmem>>) dst(%dma_wait3A_30 : memref<1x8192xf32, #tpu.memory_space<hbm>>)
        tpu.yield
      }) : () -> ()
    }
    %scan3A_13 = arith.constant 4 : i32
    return
  }
}

</mosaic_0001>

<sc_bundles>
// kernel: _run.3.cloned.1.call-start
scs
__scs_entry_jumppad:
0x0: {  	(pc) =	sbr.rel $0x88, $3  }
0x1: {  	(tag) =	ssettag $0x0;
	lr =	simm.s32 $0x1  }
0x2: {  	[smem:$0x3FA0] =	sst lr;
	_ =	strace $0xD0000000  }
0x3: {  	_ = 	snop  }
0x4: {  	_ = 	snop  }
0x5: {  	_ = 	snop  }
0x6: {  	_ = 	snop  }
0x7: {  	_ = 	snop  }
__scs_overlays_trampoline_lowered:
0x8: {  	[smem:$0x3FAF] =	sst s0  }
0x9: {  	[smem:$0x3FB0] =	sst s1  }
0xa: {  	[smem:$0x3FB1] =	sst s2  }
0xb: {  	[smem:$0x3FB2] =	sst s3  }
0xc: {  	[smem:$0x3FB3] =	sst s4  }
0xd: {  	[smem:$0x3FB4] =	sst s5  }
0xe: {  	[smem:$0x3FB5] =	sst s6  }
0xf: {  	[smem:$0x3FB6] =	sst s7  }
0x10: {  	[smem:$0x3FB7] =	sst s8  }
0x11: {  	[smem:$0x3FB8] =	sst s9;
	s0 =	simm.s32 @!p0 $0x0  }
0x12: {  	s1 =	sld [smem:$0x3F9E];
	s0 =	simm.s32 @p0 $0x1  }
0x13: {  	[smem:$0x3FB9] =	sst s0;
	s0 =	simm.s32 @!p1 $0x0  }
0x14: {  	s2 =	sld [smem:$0x3F9D];
	s0 =	simm.s32 @p1 $0x1  }
0x15: {  	[smem:$0x3FBA] =	sst s0;
	s0 =	simm.s32 @!p2 $0x0  }
0x16: {  	s3 =	sld [smem:$0x3FDB];
	s0 =	simm.s32 @p2 $0x1  }
0x17: {  	s4 =	simm.s32 $0x1BF5;
	[smem:$0x3FBC] =	sst s0  }
0x18: {  	s0 =	sld [smem:$0x3F9F];
	_ =	swait.ge [sflag:s4], $0x0  }
0x19: {  	s7 =	sld [smem:$0x3FA0]  }
0x1a: {  	s8 =	sadd.s32 $0xFFFFE003, lr  }
0x1b: {  	s9 =	sadd.s32 $0xFFFFFEF7, lr;
	s5 =	simm.s32 $0xFFFFFFFF;
	p2 =	slt.u32 s8, $0xFFFFF086  }
0x1c: {  	p1 =	slt.u32 s9, $0xF7A;
	s5 =	simm.s32 @!p2 $0x0  }
0x1d: {  	s5 =	simm.s32 @p1 $0x1;
	p0 =	seq.s32 s7, s2  }
0x1e: {  	s7 =	smul.u32 @!p0 $0xF7A, s2;
	p2 =	seq.s32 @!p0 s5, $0x0  }
0x1f: {  	s9 =	smul.u32 $0xF7A, s1;
	s8 =	simm.s32 @!p0 $0x1BF5;
	p2 =	por !p2, p0  }
0x20: {  	[sflag:s8] =	ssyncset.s32 @!p0 $0xFFFFF086;
	s6 =	sadd.s32 @!p0 s3, s7;
	s7 =	simm.s32 @!p0 $0x108  }
0x21: {  	s3 =	sadd.s32 s3, s9;
	s6 =	sadd.s32 @!p0 $0x88, s6;
	s7 =	simm.s32 @p2 $0x1082  }
0x22: {  	[simem:s7], [sflag:s8] =	dma.local @!p0 [hbm:s6], $0xF7A  }
0x23: {  	s9 =	sor.u32 $0xD0000000, s2;
	s6 =	simm.s32 $0x108;
	_ =	swait.ge @!p0 [sflag:s8], $0x0  }
0x24: {  	s3 =	sadd.s32 $0x88, s3;
	s6 =	simm.s32 @!p1 $0x1082;
	[sflag:s4] =	ssyncset.s32 $0xFFFFF086  }
0x25: {  	[simem:s6], [sflag:s4] =	dma.local [hbm:s3], $0xF7A  }
0x26: {  	[smem:$0x3FA0] =	sst s1;
	(tag) =	ssettag s2;
	_ =	strace s9  }
0x27: {  	s1 =	sld [smem:$0x3FB0]  }
0x28: {  	s2 =	sld [smem:$0x3FB1]  }
0x29: {  	s4 =	sld [smem:$0x3FB3]  }
0x2a: {  	p0 =	seq.s32 s5, $0x0;
	s5 =	sld [smem:$0x3FB4]  }
0x2b: {  	s6 =	sld [smem:$0x3FB5]  }
0x2c: {  	s7 =	sld [smem:$0x3FB6]  }
0x2d: {  	s3 =	simm.s32 $0x108;
	s8 =	sld [smem:$0x3FB7]  }
0x2e: {  	s3 =	simm.s32 @!p0 $0x1082;
	s9 =	sld [smem:$0x3FB8]  }
0x2f: {  	lr =	sadd.s32 s0, s3;
	s0 =	sld [smem:$0x3FAF]  }
0x30: {  	s3 =	sld [smem:$0x3FB2]  }
0x31: {  	[smem:$0x3FBB] =	sst s10  }
0x32: {  	s10 =	sld [smem:$0x3FB9];
	_ =	sdelay $0x3  }
0x33: {  	p0 =	seq.s32 s10, $0x1;
	s10 =	sld [smem:$0x3FBB];
	_ =	sdelay $0x3  }
0x34: {  	[smem:$0x3FBB] =	sst s10  }
0x35: {  	s10 =	sld [smem:$0x3FBA];
	_ =	sdelay $0x3  }
0x36: {  	p1 =	seq.s32 s10, $0x1;
	s10 =	sld [smem:$0x3FBB];
	_ =	sdelay $0x3  }
0x37: {  	[smem:$0x3FBB] =	sst s10  }
0x38: {  	s10 =	sld [smem:$0x3FBC]  }
0x39: {  	_ = 	snop;
	(pc) =	sbr.ind lr, $3  }
0x3a: {  	_ = 	snop  }
0x3b: {  	_ = 	snop  }
0x3c: {  	p2 =	seq.s32 s10, $0x1;
	s10 =	sld [smem:$0x3FBB]  }
0x3d: {  	_ =	shalt  }
0x3e: {  	_ =	shalt  }
0x3f: {  	_ =	shalt  }
0x40: {  	_ =	shalt  }
0x41: {  	_ =	shalt  }
0x42: {  	_ =	shalt  }
0x43: {  	_ =	shalt  }
0x44: {  	_ =	shalt  }
0x45: {  	_ =	shalt  }
0x46: {  	_ =	shalt  }
0x47: {  	_ =	shalt  }
0x48: {  	_ =	shalt  }
0x49: {  	_ =	shalt  }
0x4a: {  	_ =	shalt  }
0x4b: {  	_ =	shalt  }
0x4c: {  	_ =	shalt  }
0x4d: {  	_ =	shalt  }
0x4e: {  	_ =	shalt  }
0x4f: {  	_ =	shalt  }
0x50: {  	_ =	shalt  }
0x51: {  	_ =	shalt  }
0x52: {  	_ =	shalt  }
0x53: {  	_ =	shalt  }
0x54: {  	_ =	shalt  }
0x55: {  	_ =	shalt  }
0x56: {  	_ =	shalt  }
0x57: {  	_ =	shalt  }
0x58: {  	_ =	shalt  }
0x59: {  	_ =	shalt  }
0x5a: {  	_ =	shalt  }
0x5b: {  	_ =	shalt  }
0x5c: {  	_ =	shalt  }
0x5d: {  	_ =	shalt  }
0x5e: {  	_ =	shalt  }
0x5f: {  	_ =	shalt  }
0x60: {  	_ =	shalt  }
0x61: {  	_ =	shalt  }
0x62: {  	_ =	shalt  }
0x63: {  	_ =	shalt  }
0x64: {  	_ =	shalt  }
0x65: {  	_ =	shalt  }
0x66: {  	_ =	shalt  }
0x67: {  	_ =	shalt  }
0x68: {  	_ =	shalt  }
0x69: {  	_ =	shalt  }
0x6a: {  	_ =	shalt  }
0x6b: {  	_ =	shalt  }
0x6c: {  	_ =	shalt  }
0x6d: {  	_ =	shalt  }
0x6e: {  	_ =	shalt  }
0x6f: {  	_ =	shalt  }
0x70: {  	_ =	shalt  }
0x71: {  	_ =	shalt  }
0x72: {  	_ =	shalt  }
0x73: {  	_ =	shalt  }
0x74: {  	_ =	shalt  }
0x75: {  	_ =	shalt  }
0x76: {  	_ =	shalt  }
0x77: {  	_ =	shalt  }
0x78: {  	_ =	shalt  }
0x79: {  	_ =	shalt  }
0x7a: {  	_ =	shalt  }
0x7b: {  	_ =	shalt  }
0x7c: {  	_ =	shalt  }
0x7d: {  	_ =	shalt  }
0x7e: {  	_ =	shalt  }
0x7f: {  	_ =	shalt  }
0x80: {  	_ =	shalt  }
0x81: {  	_ =	shalt  }
0x82: {  	_ =	shalt  }
0x83: {  	_ =	shalt  }
0x84: {  	_ =	shalt  }
0x85: {  	_ =	shalt  }
0x86: {  	_ =	shalt  }
0x87: {  	_ =	shalt  }
.Lfunc_end0:
.L_simem_size_0:
called_computation_lowered:
.L_overlay_start_0:
0x88: {  	s2 =	sld [smem:$0x3FD9]  }
0x89: {  	s3 =	sld [smem:$0x3FFE];
	_ =	sdelay $0x1  }
0x8a: {  	s1 =	srdreg.scid  }
0x8b: {  	s0 =	sand.u32 $0x1, s1  }
0x8c: {  	s15 =	sshll.u32 s0, $0xA;
	s2 =	sadd.s32 s3, s2  }
0x8d: {  	s2 =	sadd.s32 s2, s15  }
0x8e: {  	[smem:$0x3FC7] =	sst s2  }
0x8f: {  	_ = 	snop  }
0x90: {  	s2 =	sld [smem:$0x3FD0];
	_ =	sdelay $0x2  }
0x91: {  	s4 =	simm.s32 $0xA;
	s5 =	simm.s32 $0x10;
	s16 =	sld [smem:$0x3FC9]  }
0x92: {  	[smem:s5], [sflag:s4] =	dma.local [hbm:s2], $0x1  }
0x93: {  	_ =	swait.eq [sflag:s4], $0x1  }
0x94: {  	[sflag:s4] =	ssyncset.done $0x0  }
0x95: {  	s17 =	sld [smem:$0x10];
	[sflag:s4] =	ssyncadd.s32 $0xFFFFFFFF  }
0x96: {  	s18 =	sld [smem:$0x11];
	(tm) =	ssettm $0x1  }
0x97: {  	s19 =	sld [smem:$0x3FFB];
	_ =	sdelay $0x3  }
0x98: {  	_ =	strace s19  }
0x99: {  	s5 =	sld [smem:$0x3FFC];
	_ =	sdelay $0x3  }
0x9a: {  	_ =	strace s5  }
0x9b: {  	s5 =	sld [smem:$0x3FFD];
	_ =	sdelay $0x3  }
0x9c: {  	_ =	strace s5  }
0x9d: {  	_ =	strace $0x8FFFFFFF  }
0x9e: {  	s20 =	sld [smem:$0x3FDB];
	_ =	sdelay $0x1  }
0x9f: {  	s6 =	simm.s32 $_scs_section_size  }
0xa0: {  	s7 =	simm.s32 $_size__tile_overlayer_lowered;
	s8 =	simm.s32 $_tile_overlayer_lowered  }
0xa1: {  	s23 =	simm.s32 $0x1BFF;
	s22 =	sshll.u32 s8, $0x1;
	s5 =	sadd.s32 s6, s20  }
0xa2: {  	s9 =	simm.s32 $0x0;
	s21 =	sshll.u32 s7, $0x1;
	s7 =	sadd.s32 s22, s5  }
0xa3: {  	[timem:s9], [sflag:s23] =	dma.local [hbm:s7], s21  }
0xa4: {  	_ =	swait.ge [sflag:s23], s21  }
0xa5: {  	s6 =	ssub.s32 $0x0, s21;
	[sflag:s23] =	ssyncset.done $0x0  }
0xa6: {  	[sflag:s23] =	ssyncadd.s32 s6;
	_ =	sdelay $0x1  }
0xa7: {  	s24 =	simm.s32 $0x1B8B  }
0xa8: {  	_ =	swait.ge [sflag:s24], $0x1  }
0xa9: {  	[sflag:s24] =	ssyncset.done $0x0  }
0xaa: {  	s25 =	simm.s32 $0x1B8E;
	[sflag:s24] =	ssyncadd.s32 $0xFFFFFFFF  }
0xab: {  	s26 =	simm.s32 $execute0_lowered;
	[smem:$0x3FD2] =	sst s25  }
0xac: {  	s6 =	sshll.u32 s26, $0x1;
	_ =	strace $0x80000046;
	[dreg:$0x1] =	wrdreg $0xFFFFFFFF  }
0xad: {  	s28 =	simm.s32 $_size_execute0_lowered;
	s5 =	sadd.s32 s5, s6;
	[dreg:$0x0] =	wrdreg $0x0  }
0xae: {  	s6 =	sshll.u32 s28, $0x1;
	[dreg:$0x2] =	wrdreg s5  }
0xaf: {  	[dreg:$0x3] =	wrdreg s6  }
0xb0: {  	[dreg:$0x4] =	wrdreg $0xC0  }
0xb1: {  	_ =	task [dreg:s9], $0x5FFFF  }
0xb2: {  	[dreg:$0x1] =	wrdreg $0xFFFFFFFF  }
0xb3: {  	[dreg:$0x0] =	wrdreg $0x60  }
0xb4: {  	[dreg:$0x2] =	wrdreg s16  }
0xb5: {  	[dreg:$0x3] =	wrdreg s17  }
0xb6: {  	[dreg:$0x4] =	wrdreg s18  }
0xb7: {  	[dreg:$0x5] =	wrdreg $0x9  }
0xb8: {  	_ =	task.clear_ibuf [dreg:s9], $0x6FFFF;
	_ =	strace $0x90000046  }
0xb9: {  	s29 =	simm.s32 $0x9;
	_ =	strace $0x80000048  }
0xba: {  	_ =	swait.ge [sflag:s29], $0x1  }
0xbb: {  	[sflag:s29] =	ssyncadd.s32 $0xFFFFFFFF  }
0xbc: {  	_ =	strace $0x90000048  }
0xbd: {  	_ =	sfence  }
0xbe: {  	s30 =	sld [smem:$0x0];
	_ =	sdelay $0x2  }
0xbf: {  	s31 =	sshll.u32 s1, $0xD;
	s1 =	sshrl.u32 s1, $0x2  }
0xc0: {  	s3 =	sand.u32 $0x4000, s31;
	s1 =	sadd.s32 s1, s30  }
0xc1: {  	s0 =	sor.u32 s3, s0;
	s1 =	sshll.u32 s1, $0x11  }
0xc2: {  	s0 =	sor.u32 s1, s0  }
0xc3: {  	s0 =	sadd.s32 $0x8F2B, s0  }
0xc4: {  	[sflag:s0] =	ssyncadd.remote.s32 $0x1  }
0xc5: {  	_ =	sfence.sel $0xFFFF  }
0xc6: {  	[dreg:$0x0] =	wrdreg $0xFFFFFFFF;
	(pc) =	sbr.abs _section_cstart, $3  }
0xc7: {  	[dreg:$0x1] =	wrdreg $0xFFFFFFFF  }
0xc8: {  	_ =	task.clear_ibuf [dreg:s9], $0x2FFFF;
	_ =	strace $0x9FFFFFFF  }
0xc9: {  	(tm) =	ssettm $0x7FFFFFFF  }
tec
execute0_lowered:
.L_overlay_start_1:
0x0: {  	(tag) =	ssettag $0x1  }
0x1: {  	s1 =	rddreg [dreg:$0x0]  }
0x2: {  	s2 =	rddreg [dreg:$0x1]  }
0x3: {  	s3 =	rddreg [dreg:$0x2];
	s4 =	srdreg.scid  }
0x4: {  	s0 =	rddreg [dreg:$0x3];
	s5 =	simm.s32 $0x0;
	s11 =	simm.s32 $0x8000  }
0x5: {  	s12 =	simm.s32 $0x80;
	s13 =	simm.s32 $0x200;
	s14 =	simm.s32 $0xA000  }
0x6: {  	s15 =	simm.s32 $0x0;
	s6 =	sand.u32 $0x1, s4;
	s4 =	stileid.u32  }
0x7: {  	[smem:$0x7FF] =	sst s5;
	s7 =	ssub.s32 $0x2, s6;
	s9 =	sshll.u32 s4, $0x10  }
0x8: {  	s6 =	sshll.u32 s6, $0xF;
	_ =	strace $0x80000047;
	s8 =	sshrl.u32 s7, $0x1  }
0x9: {  	s6 =	sor.u32 s6, s9;
	s10 =	ssub.s32 s7, s8;
	s7 =	sadd.s32 $0x10, s3  }
0xa: {  	v0 =	vimm.f32 $0.0e+00;
	s8 =	sadd.s32 $0x20, s3;
	s9 =	smax.u32 s10, $0x1;
	s10 =	simm.s32 $0x1  }
.LBB2_1:
0xb: {  	s16 =	simm.s32 $0x40;
	s17 =	simm.s32 $0x0  }
.LBB2_2:
0xc: {  	p0 =	sne.s32 s16, $0x7FC0;
	[tilespmem:s17+$0xA000] =	vst v0;
	s17 =	smov.u32 s16;
	s16 =	sadd.s32 $0x40, s16  }
.Ltmp0:
0xd: {  	(pc) =	sbr.rel @p0 .LBB2_2-.Ltmp0, $2  }
0xe: {  	_ =	sdelay $0x2  }
0xf: {  	s17 =	sshra.s32 s17, $0x2  }
0x10: {  	[tilespmem:s17+$0xA000] =	vst v0;
	s16 =	simm.s32 $0x0;
	s17 =	simm.s32 $0x0  }
.LBB2_4:
0x11: {  	s18 =	sshll.u32 s17, $0xD  }
0x12: {  	s19 =	sadd.s32 s6, s18  }
0x13: {  	s18 =	sshrl.u32 s19, $0x1  }
0x14: {  	s20 =	sadd.s32 s1, s18  }
0x15: {  	[tilespmem:s16], [sflag:$0x1] =	stream.linear.gather [hbm4b:s20+s16], $0x8000, $0x38;
	[tilespmem:$0xC000] =	vst v63  }
0x16: {  	s31 =	sand.u32 $0x70, s16;
	s21 =	sand.u32 $0x7E00, s16;
	_ =	swait.ge [sflag:s10], $0x8000  }
0x17: {  	s22 =	simm.s32 $0x0;
	s23 =	sor.u32 s31, s21;
	[sflag:s10] =	ssyncset.done $0x0  }
0x18: {  	s21 =	simm.s32 $0x10;
	s20 =	simm.s32 $0x0;
	[sflag:s10] =	ssyncadd.s32 $0xFFFF8000  }
.LBB2_5:
0x19: {  	p0 =	sne.s32 s21, $0x1FF0;
	v1 =	vld [tilespmem:s23+$0x80]  }
0x1a: {  	v2 =	vld [tilespmem:s23+$0x0];
	_ =	sdelay $0x3  }
0x1b: {  	v3 =	vld [tilespmem:s23+$0x100];
	v4 =	vadd.f32 $2.000000030e-01, v1  }
0x1c: {  	v5 =	vadd.f32 $-5.000000000e-01, v2;
	v2 =	vadd.f32 $5.000000000e-01, v2  }
0x1d: {  	v1 =	vmul.f32 v1, v1;
	v4 =	vmul.f32 v4, v4  }
0x1e: {  	v5 =	vmul.f32 v5, v5;
	v2 =	vmul.f32 v2, v2;
	_ =	sdelay $0x1  }
0x1f: {  	v3 =	vmul.f32 v3, v3;
	v1 =	vadd.f32 v1, v5;
	v2 =	vadd.f32 v4, v2;
	_ =	sdelay $0x1  }
0x20: {  	v1 =	vadd.f32 v3, v1;
	v2 =	vadd.f32 v2, v3  }
.Ltmp1:
0x21: {  	(pc) =	sbr.rel @p0 .LBB2_5-.Ltmp1, $4  }
0x22: {  	vm0 =	vlt.f32 v1, $3.000000120e-01;
	vm1 =	vlt.f32 v2, $8.000000110e-01  }
0x23: {  	s22 =	sadd.s32 $0x40, s22;
	vm0 =	vmor vm0, vm1  }
0x24: {  	s20 =	sshra.s32 s20, $0x2;
	s24 =	sand.u32 $0x7E00, s22;
	s23 =	sand.u32 $0x70, s21;
	v1 =	vsel vm0, $0x3F800000, v0  }
0x25: {  	s21 =	sadd.s32 $0x10, s21;
	s23 =	sor.u32 s23, s24;
	[tilespmem:s20+$0x8000] =	vst v1;
	s20 =	smov.u32 s22  }
0x26: {  	v1 =	vld [tilespmem:s23+$0x80]  }
0x27: {  	v2 =	vld [tilespmem:s23+$0x0];
	_ =	sdelay $0x3  }
0x28: {  	v3 =	vld [tilespmem:s23+$0x100];
	v4 =	vadd.f32 $2.000000030e-01, v1  }
0x29: {  	v5 =	vadd.f32 $-5.000000000e-01, v2;
	v2 =	vadd.f32 $5.000000000e-01, v2  }
0x2a: {  	v1 =	vmul.f32 v1, v1;
	v4 =	vmul.f32 v4, v4  }
0x2b: {  	v5 =	vmul.f32 v5, v5;
	v2 =	vmul.f32 v2, v2;
	_ =	sdelay $0x1  }
0x2c: {  	v3 =	vmul.f32 v3, v3;
	v1 =	vadd.f32 v1, v5;
	v2 =	vadd.f32 v4, v2;
	_ =	sdelay $0x1  }
0x2d: {  	v1 =	vadd.f32 v3, v1;
	v2 =	vadd.f32 v2, v3;
	_ =	sdelay $0x1  }
0x2e: {  	vm0 =	vlt.f32 v1, $3.000000120e-01;
	vm1 =	vlt.f32 v2, $8.000000110e-01  }
0x2f: {  	vm0 =	vmor vm0, vm1  }
0x30: {  	s20 =	sshra.s32 s20, $0x2;
	s19 =	sshrl.u32 s19, $0x3;
	v1 =	vsel vm0, $0x3F800000, v0  }
0x31: {  	s19 =	sadd.s32 s2, s19;
	[tilespmem:s20+$0x8000] =	vst v1  }
0x32: {  	[hbm4b:s19+s5] =	stream.linear.scatter [tilespmem:s11], [sflag:$0x1], $0x2000, $0x38;
	[tilespmem:$0xC000] =	vst v63  }
0x33: {  	_ =	swait.ge [sflag:s10], $0x2000  }
0x34: {  	[sflag:s10] =	ssyncset.done $0x0  }
0x35: {  	s29 =	sadd.s32 s3, s18;
	[sflag:s10] =	ssyncadd.s32 $0xFFFFE000  }
0x36: {  	[hbm4b:s29+s12] =	stream.strided.scatter [tilespmem:s11], [sflag:$0x1], $0x2000, s13, s12, $0x38;
	[tilespmem:$0xC000] =	vst v63  }
0x37: {  	_ =	swait.ge [sflag:s10], $0x2000  }
0x38: {  	[sflag:s10] =	ssyncset.done $0x0  }
0x39: {  	s30 =	sadd.s32 s18, s7;
	[sflag:s10] =	ssyncadd.s32 $0xFFFFE000  }
0x3a: {  	[hbm4b:s30+s12] =	stream.strided.scatter [tilespmem:s14], [sflag:$0x1], $0x2000, s13, s12, $0x38;
	[tilespmem:$0xC000] =	vst v63  }
0x3b: {  	s17 =	sadd.s32 $0x1, s17;
	_ =	swait.ge [sflag:s10], $0x2000  }
0x3c: {  	p0 =	sne.s32 s17, $0x4;
	[sflag:s10] =	ssyncset.done $0x0  }
.Ltmp2:
0x3d: {  	s31 =	sadd.s32 s18, s8;
	[sflag:s10] =	ssyncadd.s32 $0xFFFFE000;
	(pc) =	sbr.rel @p0 .LBB2_4-.Ltmp2, $4  }
0x3e: {  	[hbm4b:s31+s12] =	stream.strided.scatter [tilespmem:s14], [sflag:$0x1], $0x2000, s13, s12, $0x38;
	[tilespmem:$0xC000] =	vst v63  }
0x3f: {  	_ =	swait.ge [sflag:s10], $0x2000  }
0x40: {  	[sflag:s10] =	ssyncset.done $0x0  }
0x41: {  	[sflag:s10] =	ssyncadd.s32 $0xFFFFE000  }
0x42: {  	s15 =	sadd.s32 $0x1, s15  }
0x43: {  	p0 =	sne.s32 s15, s9  }
.Ltmp3:
0x44: {  	_ = 	snop;
	(pc) =	sbr.rel @p0 .LBB2_1-.Ltmp3, $1  }
0x45: {  	_ =	sdelay $0x3  }
0x46: {  	_ =	sfence.sel $0x180000  }
0x47: {  	[bflag:$0x0] =	sbarrier.arrive $0xFFFF  }
0x48: {  	p0 =	sne.s32 s4, $0x0;
	_ =	strace $0x90000047  }
0x49: {  	s0 =	sadd.s32 @!p0 $0x100000, s0;
	[bflag:$0x2] =	sbarrier.arrive $0xFFFF  }
0x4a: {  	[sflag:s0] =	ssyncadd.tile.s32 @!p0 $0x1;
	_ =	shalt  }
.Lfunc_end2:
_tile_overlayer_lowered:
.L_overlay_start_2:
0x4b: {  	(tag) =	ssettag $0x2  }
0x4c: {  	s0 =	rddreg [dreg:$0x0];
	s2 =	stileid.u32  }
0x4d: {  	s1 =	rddreg [dreg:$0x1];
	p0 =	sne.s32 s2, $0x0  }
0x4e: {  	s3 =	rddreg [dreg:$0x2];
	[bflag:$0x3] =	sbarrier.arrive $0xFFFF;
	s2 =	simm.s32 @!p0 $0x1C01  }
0x4f: {  	[timem:s3], [sflag:s2] =	dma.local @!p0 [hbm:s0], s1  }
0x50: {  	s0 =	simm.s32 @!p0 $0x1  }
0x51: {  	_ =	swait.ge @!p0 [sflag:s0], s1  }
0x52: {  	s1 =	ssub.s32 @!p0 $0x0, s1;
	[sflag:s0] =	ssyncset.done @!p0 $0x0  }
0x53: {  	[sflag:s0] =	ssyncadd.s32 @!p0 s1  }
0x54: {  	[bflag:$0x3] =	sbarrier.arrive $0xFFFF  }
0x55: {  	_ =	shalt  }

</sc_bundles>
